<compile_context>
chip_gen: v7x
topology: tpu7x:2x2x1
jax: 0.10.2.dev20260603
libtpu: 0.0.44.dev20260713+nightly
codegen_flags: <defaults>
</compile_context>

<pallas_src>
import functools

import jax
import jax.numpy as jnp
from jax import lax
from jax.experimental import pallas as pl
from jax.experimental.pallas import tpu as pltpu
from jax.experimental.pallas import tpu_sc as plsc

BATCH = 16
MAX_LEN = 2048
TOTAL_CAP = BATCH * MAX_LEN

L = 16
CHUNK = MAX_LEN
WIN = CHUNK + 8
WIN_BASE_MAX = TOTAL_CAP - WIN


def _tok_body(flat_hbm, cu_hbm, out_hbm, cu_v, win_v, out_v):
    wid = lax.axis_index("s")
    b = wid
    c0 = 0

    pltpu.sync_copy(cu_hbm, cu_v.at[pl.ds(0, BATCH + 1)])

    lanes = lax.iota(jnp.int32, L)
    cu_pair = cu_v[pl.ds(b, L)]
    start_s = cu_pair[0]
    end_s = cu_pair[1]
    row_len = end_s - start_s

    win_start = start_s + c0
    base8 = jnp.minimum(win_start & ~7, WIN_BASE_MAX)
    base8 = pl.multiple_of(base8, 8)
    pltpu.sync_copy(flat_hbm.at[pl.ds(base8, WIN)], win_v.at[pl.ds(0, WIN)])
    off = win_start - base8

    @plsc.parallel_loop(0, CHUNK, step=L, unroll=8)
    def body(p):
        pos = p + lanes
        vals = win_v[pl.ds(off + p, L)]
        out_v[pl.ds(p, L)] = jnp.where(pos < row_len, vals, 0.0)

    pltpu.sync_copy(out_v, out_hbm.at[b])


@jax.jit
def _tokpad(flat_values, cu_seqlens):
    mesh = plsc.VectorSubcoreMesh(
        core_axis_name="c", subcore_axis_name="s", num_cores=1)
    k = functools.partial(
        pl.kernel,
        mesh=mesh,
        out_type=jax.ShapeDtypeStruct((BATCH, CHUNK), jnp.float32),
        scratch_types=[
            pltpu.VMEM((128,), jnp.int32),
            pltpu.VMEM((WIN + CHUNK + 2048 + 64,), jnp.float32),
            pltpu.VMEM((CHUNK,), jnp.float32),
        ],
    )(_tok_body)
    return k(flat_values, cu_seqlens)


def kernel(flat_values, cu_seqlens):
    out = _tokpad(flat_values, cu_seqlens.astype(jnp.int32))
    return out.reshape(BATCH, MAX_LEN)

# --- scband reference (transcript-rebuilt; emitter-appended) ---
"""Pipeline reference for scband-tokenizer-base-13142599926086 (READ-ONLY COPY).

The authoritative reference and input builder live on the scoring server;
editing this copy changes nothing except your own understanding.
"""

import jax, jax.numpy as jnp
import numpy as np

BATCH = 16
MAX_LEN = 2048
TOTAL_CAP = BATCH * MAX_LEN  # 32768
PAD_VALUE = 0.0


def setup_inputs(seed: int = 0) -> dict:
    key = jax.random.key(seed)
    k1, k2 = jax.random.split(key)
    # flat token values (numeric stand-in for tokenized string pieces)
    flat_values = jax.random.normal(k1, (TOTAL_CAP,), dtype=jnp.float32)
    # per-sequence lengths in [1, MAX_LEN), so every row fits in the padded output
    lengths = jax.random.randint(k2, (BATCH,), 1, MAX_LEN)
    cu_seqlens = jnp.concatenate([jnp.zeros((1,), dtype=jnp.int32),
                                  jnp.cumsum(lengths).astype(jnp.int32)])
    return {"flat_values": flat_values, "cu_seqlens": cu_seqlens}


def reference(flat_values, cu_seqlens):
    # Faithful numeric model of TokenizerBase.call:
    #   text = tokenizer.tokenize(input)          -> ragged (flat_values, cu_seqlens)
    #   text = ragged_conversion_ops.to_tensor(text, default_value=pad_value)
    # i.e. convert a ragged batch of token sequences into a dense padded tensor.
    total_cap = flat_values.shape[0]
    tok = jnp.arange(total_cap)
    # segment id of each flat token
    seg = jnp.searchsorted(cu_seqlens, tok, side="right") - 1
    seg = jnp.clip(seg, 0, BATCH - 1)
    # position within its sequence
    pos = tok - cu_seqlens[seg]
    # tokens beyond the ragged total are invalid -> route out of bounds and drop
    valid = tok < cu_seqlens[-1]
    seg = jnp.where(valid, seg, BATCH)
    dense = jnp.full((BATCH, MAX_LEN), PAD_VALUE, dtype=flat_values.dtype)
    dense = dense.at[seg, pos].set(flat_values, mode="drop")
    return dense

if __name__ == "__main__":
    import jax
    _d = setup_inputs()
    print(jax.jit(kernel)(*tuple(_d.values())))

</pallas_src>

<mosaic_0001>
#map = affine_map<(d0, d1) -> (0)>
#map1 = affine_map<(d0, d1) -> (0, 0)>
module attributes {stable_mosaic.version = 14 : i64} {
  func.func @_tok_body(%arg0: i32, %arg1: i32, %arg2: memref<32768xf32, #tpu.memory_space<hbm>>, %arg3: memref<17xi32, #tpu.memory_space<hbm>>, %arg4: memref<16x2048xf32, #tpu.memory_space<hbm>>, %arg5: memref<128xi32, #tpu.memory_space<vmem>>, %arg6: memref<6216xf32, #tpu.memory_space<vmem>>, %arg7: memref<2048xf32, #tpu.memory_space<vmem>>) attributes {dimension_semantics = [#tpu.dimension_semantics<core_parallel>, #tpu.dimension_semantics<subcore_parallel>], iteration_bounds = array<i64: 1, 16>, scalar_prefetch = 0 : i64, scratch_operands = 3 : i64, tpu.core_type = #tpu.core_type<sc_vector_subcore>, window_params = [{transform_indices = #map}, {transform_indices = #map}, {transform_indices = #map1}]} {
    "tpu.region"() ({
      %run_scoped3A = tpu.sem_alloc : memref<!tpu.dma_semaphore, #tpu.memory_space<semaphore_mem>>
      %dma_start3A = arith.constant 0 : i32
      %dma_start3A_10 = tpu.memref_slice %arg5[%dma_start3A] : memref<128xi32, #tpu.memory_space<vmem>> -> memref<17xi32, #tpu.memory_space<vmem>>
      %dma_start3A_11 = arith.constant 0 : i32
      %dma_start3A_12 = tpu.memref_slice %arg5[%dma_start3A_11] : memref<128xi32, #tpu.memory_space<vmem>> -> memref<17xi32, #tpu.memory_space<vmem>>
      tpu.enqueue_dma source(%arg3 : memref<17xi32, #tpu.memory_space<hbm>>) target(%dma_start3A_12 : memref<17xi32, #tpu.memory_space<vmem>>) target_semaphore(%run_scoped3A : memref<!tpu.dma_semaphore, #tpu.memory_space<semaphore_mem>>)
      %dma_wait3A = arith.constant 0 : i32
      %dma_wait3A_13 = tpu.memref_slice %arg5[%dma_wait3A] : memref<128xi32, #tpu.memory_space<vmem>> -> memref<17xi32, #tpu.memory_space<vmem>>
      %dma_wait3A_14 = arith.constant 0 : i32
      %dma_wait3A_15 = tpu.memref_slice %arg5[%dma_wait3A_14] : memref<128xi32, #tpu.memory_space<vmem>> -> memref<17xi32, #tpu.memory_space<vmem>>
      tpu.wait_dma2 semaphore(%run_scoped3A : memref<!tpu.dma_semaphore, #tpu.memory_space<semaphore_mem>>) src(%arg3 : memref<17xi32, #tpu.memory_space<hbm>>) dst(%dma_wait3A_15 : memref<17xi32, #tpu.memory_space<vmem>>)
      tpu.yield
    }) : () -> ()
    %iota3A = tpu.iota {dimensions = array<i32: 0>} : vector<16xi32>
    %get3A = arith.index_cast %arg1 : i32 to index
    %get3A_0 = tpu.vector_load %arg5[%get3A] {strides = array<i32>} : memref<128xi32, #tpu.memory_space<vmem>>, vector<16xi32>,
    %get3A_1 = vector.shape_cast %get3A_0 : vector<16xi32> to vector<16xi32>
    %slice3A = vector.extract_strided_slice %get3A_1 {offsets = [0], sizes = [1], strides = [1]} : vector<16xi32> to vector<1xi32>
    %squeeze3A = vector.extract %slice3A[0] : i32 from vector<1xi32>
    %slice3A_2 = vector.extract_strided_slice %get3A_1 {offsets = [1], sizes = [1], strides = [1]} : vector<16xi32> to vector<1xi32>
    %squeeze3A_3 = vector.extract %slice3A_2[0] : i32 from vector<1xi32>
    %sub3A = arith.subi %squeeze3A_3, %squeeze3A : i32
    %add3A = arith.constant 0 : i32
    %add3A_4 = arith.addi %squeeze3A, %add3A : i32
    %and3A = arith.constant -8 : i32
    %and3A_5 = arith.andi %add3A_4, %and3A : i32
    %min3A = arith.constant 30712 : i32
    %min3A_6 = arith.minsi %and3A_5, %min3A : i32
    %multiple_of3A = tpu.assume_multiple %min3A_6, 8 : i32
    "tpu.region"() ({
      %run_scoped3A = tpu.sem_alloc : memref<!tpu.dma_semaphore, #tpu.memory_space<semaphore_mem>>
      %dma_start3A = arith.constant 0 : i32
      %dma_start3A_10 = tpu.memref_slice %arg6[%dma_start3A] : memref<6216xf32, #tpu.memory_space<vmem>> -> memref<2056xf32, #tpu.memory_space<vmem>>
      %dma_start3A_11 = tpu.memref_slice %arg2[%multiple_of3A] : memref<32768xf32, #tpu.memory_space<hbm>> -> memref<2056xf32, #tpu.memory_space<hbm>>
      %dma_start3A_12 = arith.constant 0 : i32
      %dma_start3A_13 = tpu.memref_slice %arg6[%dma_start3A_12] : memref<6216xf32, #tpu.memory_space<vmem>> -> memref<2056xf32, #tpu.memory_space<vmem>>
      %dma_start3A_14 = tpu.memref_slice %arg2[%multiple_of3A] : memref<32768xf32, #tpu.memory_space<hbm>> -> memref<2056xf32, #tpu.memory_space<hbm>>
      tpu.enqueue_dma source(%dma_start3A_14 : memref<2056xf32, #tpu.memory_space<hbm>>) target(%dma_start3A_13 : memref<2056xf32, #tpu.memory_space<vmem>>) target_semaphore(%run_scoped3A : memref<!tpu.dma_semaphore, #tpu.memory_space<semaphore_mem>>)
      %dma_wait3A = arith.constant 0 : i32
      %dma_wait3A_15 = tpu.memref_slice %arg6[%dma_wait3A] : memref<6216xf32, #tpu.memory_space<vmem>> -> memref<2056xf32, #tpu.memory_space<vmem>>
      %dma_wait3A_16 = tpu.memref_slice %arg2[%multiple_of3A] : memref<32768xf32, #tpu.memory_space<hbm>> -> memref<2056xf32, #tpu.memory_space<hbm>>
      %dma_wait3A_17 = arith.constant 0 : i32
      %dma_wait3A_18 = tpu.memref_slice %arg6[%dma_wait3A_17] : memref<6216xf32, #tpu.memory_space<vmem>> -> memref<2056xf32, #tpu.memory_space<vmem>>
      %dma_wait3A_19 = tpu.memref_slice %arg2[%multiple_of3A] : memref<32768xf32, #tpu.memory_space<hbm>> -> memref<2056xf32, #tpu.memory_space<hbm>>
      tpu.wait_dma2 semaphore(%run_scoped3A : memref<!tpu.dma_semaphore, #tpu.memory_space<semaphore_mem>>) src(%dma_wait3A_19 : memref<2056xf32, #tpu.memory_space<hbm>>) dst(%dma_wait3A_18 : memref<2056xf32, #tpu.memory_space<vmem>>)
      tpu.yield
    }) : () -> ()
    %sub3A_7 = arith.subi %add3A_4, %multiple_of3A : i32
    %parallel_loop3A = arith.constant 0 : i32
    %parallel_loop3A_8 = arith.constant 2048 : i32
    %parallel_loop3A_9 = arith.constant 16 : i32
    scf.for %parallel_loop3A_10 = %parallel_loop3A to %parallel_loop3A_8 step %parallel_loop3A_9  : i32 {
      %parallel_loop3A_11 = vector.broadcast %parallel_loop3A_10 : i32 to vector<16xi32>
      %parallel_loop3A_12 = arith.addi %parallel_loop3A_11, %iota3A : vector<16xi32>
      %parallel_loop3A_13 = arith.addi %sub3A_7, %parallel_loop3A_10 : i32
      %parallel_loop3A_14 = arith.index_cast %parallel_loop3A_13 : i32 to index
      %parallel_loop3A_15 = tpu.vector_load %arg6[%parallel_loop3A_14] {strides = array<i32>} : memref<6216xf32, #tpu.memory_space<vmem>>, vector<16xf32>,
      %parallel_loop3A_16 = vector.shape_cast %parallel_loop3A_15 : vector<16xf32> to vector<16xf32>
      %parallel_loop3A_17 = vector.broadcast %sub3A : i32 to vector<16xi32>
      %parallel_loop3A_18 = arith.cmpi slt, %parallel_loop3A_12, %parallel_loop3A_17 : vector<16xi32>
      %parallel_loop3A_19 = arith.constant 0.000000e+00 : f32
      %parallel_loop3A_20 = vector.broadcast %parallel_loop3A_19 : f32 to vector<16xf32>
      %parallel_loop3A_21 = arith.select %parallel_loop3A_18, %parallel_loop3A_16, %parallel_loop3A_20 : vector<16xi1>, vector<16xf32>
      %parallel_loop3A_22 = arith.index_cast %parallel_loop3A_10 : i32 to index
      %parallel_loop3A_23 = tpu.vector_load %arg7[%parallel_loop3A_22] {strides = array<i32>} : memref<2048xf32, #tpu.memory_space<vmem>>, vector<16xf32>,
      %parallel_loop3A_24 = vector.shape_cast %parallel_loop3A_23 : vector<16xf32> to vector<16xf32>
      %parallel_loop3A_25 = vector.shape_cast %parallel_loop3A_21 : vector<16xf32> to vector<16xf32>
      tpu.vector_store %arg7[%parallel_loop3A_22], %parallel_loop3A_25 {strides = array<i32>} : memref<2048xf32, #tpu.memory_space<vmem>>, vector<16xf32>,
    } {sc.loop_unroll_factor = 8 : i64, sc.parallel_access}
    "tpu.region"() ({
      %run_scoped3A = tpu.sem_alloc : memref<!tpu.dma_semaphore, #tpu.memory_space<semaphore_mem>>
      %dma_start3A = arith.constant 0 : i32
      %dma_start3A_10 = tpu.memref_slice %arg4[%arg1, %dma_start3A] : memref<16x2048xf32, #tpu.memory_space<hbm>> -> memref<1x2048xf32, #tpu.memory_space<hbm>>
      %dma_start3A_11 = tpu.memref_squeeze %dma_start3A_10 : memref<1x2048xf32, #tpu.memory_space<hbm>> -> memref<2048xf32, #tpu.memory_space<hbm>>
      %dma_start3A_12 = arith.constant 0 : i32
      %dma_start3A_13 = tpu.memref_slice %arg4[%arg1, %dma_start3A_12] : memref<16x2048xf32, #tpu.memory_space<hbm>> -> memref<1x2048xf32, #tpu.memory_space<hbm>>
      %dma_start3A_14 = tpu.memref_squeeze %dma_start3A_13 : memref<1x2048xf32, #tpu.memory_space<hbm>> -> memref<2048xf32, #tpu.memory_space<hbm>>
      tpu.enqueue_dma source(%arg7 : memref<2048xf32, #tpu.memory_space<vmem>>) target(%dma_start3A_14 : memref<2048xf32, #tpu.memory_space<hbm>>) target_semaphore(%run_scoped3A : memref<!tpu.dma_semaphore, #tpu.memory_space<semaphore_mem>>)
      %dma_wait3A = arith.constant 0 : i32
      %dma_wait3A_15 = tpu.memref_slice %arg4[%arg1, %dma_wait3A] : memref<16x2048xf32, #tpu.memory_space<hbm>> -> memref<1x2048xf32, #tpu.memory_space<hbm>>
      %dma_wait3A_16 = tpu.memref_squeeze %dma_wait3A_15 : memref<1x2048xf32, #tpu.memory_space<hbm>> -> memref<2048xf32, #tpu.memory_space<hbm>>
      %dma_wait3A_17 = arith.constant 0 : i32
      %dma_wait3A_18 = tpu.memref_slice %arg4[%arg1, %dma_wait3A_17] : memref<16x2048xf32, #tpu.memory_space<hbm>> -> memref<1x2048xf32, #tpu.memory_space<hbm>>
      %dma_wait3A_19 = tpu.memref_squeeze %dma_wait3A_18 : memref<1x2048xf32, #tpu.memory_space<hbm>> -> memref<2048xf32, #tpu.memory_space<hbm>>
      tpu.wait_dma2 semaphore(%run_scoped3A : memref<!tpu.dma_semaphore, #tpu.memory_space<semaphore_mem>>) src(%arg7 : memref<2048xf32, #tpu.memory_space<vmem>>) dst(%dma_wait3A_19 : memref<2048xf32, #tpu.memory_space<hbm>>)
      tpu.yield
    }) : () -> ()
    return
  }
}

</mosaic_0001>

<sc_bundles>
// kernel: _tokpad.3.cloned.1.call-start
scs
__scs_entry_jumppad:
0x0: {  	(pc) =	sbr.rel $0x88, $3  }
0x1: {  	(tag) =	ssettag $0x0;
	lr =	simm.s32 $0x1  }
0x2: {  	[smem:$0x3F9F] =	sst lr;
	_ =	strace $0xD0000000  }
0x3: {  	_ = 	snop  }
0x4: {  	_ = 	snop  }
0x5: {  	_ = 	snop  }
0x6: {  	_ = 	snop  }
0x7: {  	_ = 	snop  }
__scs_overlays_trampoline_lowered:
0x8: {  	[smem:$0x3FAE] =	sst s0  }
0x9: {  	[smem:$0x3FAF] =	sst s1  }
0xa: {  	[smem:$0x3FB0] =	sst s2  }
0xb: {  	[smem:$0x3FB1] =	sst s3  }
0xc: {  	[smem:$0x3FB2] =	sst s4  }
0xd: {  	[smem:$0x3FB3] =	sst s5  }
0xe: {  	[smem:$0x3FB4] =	sst s6  }
0xf: {  	[smem:$0x3FB5] =	sst s7  }
0x10: {  	[smem:$0x3FB6] =	sst s8  }
0x11: {  	[smem:$0x3FB7] =	sst s9;
	s0 =	simm.s32 @!p0 $0x0  }
0x12: {  	s1 =	sld [smem:$0x3F9D];
	s0 =	simm.s32 @p0 $0x1  }
0x13: {  	[smem:$0x3FB8] =	sst s0;
	s0 =	simm.s32 @!p1 $0x0  }
0x14: {  	s2 =	sld [smem:$0x3F9C];
	s0 =	simm.s32 @p1 $0x1  }
0x15: {  	[smem:$0x3FB9] =	sst s0;
	s0 =	simm.s32 @!p2 $0x0  }
0x16: {  	s3 =	sld [smem:$0x3FDB];
	s0 =	simm.s32 @p2 $0x1  }
0x17: {  	s4 =	simm.s32 $0x1BF5;
	[smem:$0x3FBB] =	sst s0  }
0x18: {  	s0 =	sld [smem:$0x3F9E];
	_ =	swait.ge [sflag:s4], $0x0  }
0x19: {  	s7 =	sld [smem:$0x3F9F]  }
0x1a: {  	s8 =	sadd.s32 $0xFFFFE003, lr  }
0x1b: {  	s9 =	sadd.s32 $0xFFFFFEF7, lr;
	s5 =	simm.s32 $0xFFFFFFFF;
	p2 =	slt.u32 s8, $0xFFFFF086  }
0x1c: {  	p1 =	slt.u32 s9, $0xF7A;
	s5 =	simm.s32 @!p2 $0x0  }
0x1d: {  	s5 =	simm.s32 @p1 $0x1;
	p0 =	seq.s32 s7, s2  }
0x1e: {  	s7 =	smul.u32 @!p0 $0xF7A, s2;
	p2 =	seq.s32 @!p0 s5, $0x0  }
0x1f: {  	s9 =	smul.u32 $0xF7A, s1;
	s8 =	simm.s32 @!p0 $0x1BF5;
	p2 =	por !p2, p0  }
0x20: {  	[sflag:s8] =	ssyncset.s32 @!p0 $0xFFFFF086;
	s6 =	sadd.s32 @!p0 s3, s7;
	s7 =	simm.s32 @!p0 $0x108  }
0x21: {  	s3 =	sadd.s32 s3, s9;
	s6 =	sadd.s32 @!p0 $0x88, s6;
	s7 =	simm.s32 @p2 $0x1082  }
0x22: {  	[simem:s7], [sflag:s8] =	dma.local @!p0 [hbm:s6], $0xF7A  }
0x23: {  	s9 =	sor.u32 $0xD0000000, s2;
	s6 =	simm.s32 $0x108;
	_ =	swait.ge @!p0 [sflag:s8], $0x0  }
0x24: {  	s3 =	sadd.s32 $0x88, s3;
	s6 =	simm.s32 @!p1 $0x1082;
	[sflag:s4] =	ssyncset.s32 $0xFFFFF086  }
0x25: {  	[simem:s6], [sflag:s4] =	dma.local [hbm:s3], $0xF7A  }
0x26: {  	[smem:$0x3F9F] =	sst s1;
	(tag) =	ssettag s2;
	_ =	strace s9  }
0x27: {  	s1 =	sld [smem:$0x3FAF]  }
0x28: {  	s2 =	sld [smem:$0x3FB0]  }
0x29: {  	s4 =	sld [smem:$0x3FB2]  }
0x2a: {  	p0 =	seq.s32 s5, $0x0;
	s5 =	sld [smem:$0x3FB3]  }
0x2b: {  	s6 =	sld [smem:$0x3FB4]  }
0x2c: {  	s7 =	sld [smem:$0x3FB5]  }
0x2d: {  	s3 =	simm.s32 $0x108;
	s8 =	sld [smem:$0x3FB6]  }
0x2e: {  	s3 =	simm.s32 @!p0 $0x1082;
	s9 =	sld [smem:$0x3FB7]  }
0x2f: {  	lr =	sadd.s32 s0, s3;
	s0 =	sld [smem:$0x3FAE]  }
0x30: {  	s3 =	sld [smem:$0x3FB1]  }
0x31: {  	[smem:$0x3FBA] =	sst s10  }
0x32: {  	s10 =	sld [smem:$0x3FB8];
	_ =	sdelay $0x3  }
0x33: {  	p0 =	seq.s32 s10, $0x1;
	s10 =	sld [smem:$0x3FBA];
	_ =	sdelay $0x3  }
0x34: {  	[smem:$0x3FBA] =	sst s10  }
0x35: {  	s10 =	sld [smem:$0x3FB9];
	_ =	sdelay $0x3  }
0x36: {  	p1 =	seq.s32 s10, $0x1;
	s10 =	sld [smem:$0x3FBA];
	_ =	sdelay $0x3  }
0x37: {  	[smem:$0x3FBA] =	sst s10  }
0x38: {  	s10 =	sld [smem:$0x3FBB]  }
0x39: {  	_ = 	snop;
	(pc) =	sbr.ind lr, $3  }
0x3a: {  	_ = 	snop  }
0x3b: {  	_ = 	snop  }
0x3c: {  	p2 =	seq.s32 s10, $0x1;
	s10 =	sld [smem:$0x3FBA]  }
0x3d: {  	_ =	shalt  }
0x3e: {  	_ =	shalt  }
0x3f: {  	_ =	shalt  }
0x40: {  	_ =	shalt  }
0x41: {  	_ =	shalt  }
0x42: {  	_ =	shalt  }
0x43: {  	_ =	shalt  }
0x44: {  	_ =	shalt  }
0x45: {  	_ =	shalt  }
0x46: {  	_ =	shalt  }
0x47: {  	_ =	shalt  }
0x48: {  	_ =	shalt  }
0x49: {  	_ =	shalt  }
0x4a: {  	_ =	shalt  }
0x4b: {  	_ =	shalt  }
0x4c: {  	_ =	shalt  }
0x4d: {  	_ =	shalt  }
0x4e: {  	_ =	shalt  }
0x4f: {  	_ =	shalt  }
0x50: {  	_ =	shalt  }
0x51: {  	_ =	shalt  }
0x52: {  	_ =	shalt  }
0x53: {  	_ =	shalt  }
0x54: {  	_ =	shalt  }
0x55: {  	_ =	shalt  }
0x56: {  	_ =	shalt  }
0x57: {  	_ =	shalt  }
0x58: {  	_ =	shalt  }
0x59: {  	_ =	shalt  }
0x5a: {  	_ =	shalt  }
0x5b: {  	_ =	shalt  }
0x5c: {  	_ =	shalt  }
0x5d: {  	_ =	shalt  }
0x5e: {  	_ =	shalt  }
0x5f: {  	_ =	shalt  }
0x60: {  	_ =	shalt  }
0x61: {  	_ =	shalt  }
0x62: {  	_ =	shalt  }
0x63: {  	_ =	shalt  }
0x64: {  	_ =	shalt  }
0x65: {  	_ =	shalt  }
0x66: {  	_ =	shalt  }
0x67: {  	_ =	shalt  }
0x68: {  	_ =	shalt  }
0x69: {  	_ =	shalt  }
0x6a: {  	_ =	shalt  }
0x6b: {  	_ =	shalt  }
0x6c: {  	_ =	shalt  }
0x6d: {  	_ =	shalt  }
0x6e: {  	_ =	shalt  }
0x6f: {  	_ =	shalt  }
0x70: {  	_ =	shalt  }
0x71: {  	_ =	shalt  }
0x72: {  	_ =	shalt  }
0x73: {  	_ =	shalt  }
0x74: {  	_ =	shalt  }
0x75: {  	_ =	shalt  }
0x76: {  	_ =	shalt  }
0x77: {  	_ =	shalt  }
0x78: {  	_ =	shalt  }
0x79: {  	_ =	shalt  }
0x7a: {  	_ =	shalt  }
0x7b: {  	_ =	shalt  }
0x7c: {  	_ =	shalt  }
0x7d: {  	_ =	shalt  }
0x7e: {  	_ =	shalt  }
0x7f: {  	_ =	shalt  }
0x80: {  	_ =	shalt  }
0x81: {  	_ =	shalt  }
0x82: {  	_ =	shalt  }
0x83: {  	_ =	shalt  }
0x84: {  	_ =	shalt  }
0x85: {  	_ =	shalt  }
0x86: {  	_ =	shalt  }
0x87: {  	_ =	shalt  }
.Lfunc_end0:
.L_simem_size_0:
called_computation_lowered:
.L_overlay_start_0:
0x88: {  	s0 =	sld [smem:$0x3FD9]  }
0x89: {  	s1 =	sld [smem:$0x3FFE];
	_ =	sdelay $0x3  }
0x8a: {  	s0 =	sadd.s32 s1, s0  }
0x8b: {  	[smem:$0x3FC6] =	sst s0  }
0x8c: {  	_ = 	snop  }
0x8d: {  	s0 =	sld [smem:$0x3FC9]  }
0x8e: {  	s17 =	sld [smem:$0x3FC8]  }
0x8f: {  	s2 =	sld [smem:$0x3FD0];
	(tm) =	ssettm $0x1  }
0x90: {  	s3 =	sld [smem:$0x3FFB];
	_ =	sdelay $0x3  }
0x91: {  	_ =	strace s3  }
0x92: {  	s3 =	sld [smem:$0x3FFC];
	_ =	sdelay $0x3  }
0x93: {  	_ =	strace s3  }
0x94: {  	s3 =	sld [smem:$0x3FFD];
	_ =	sdelay $0x3  }
0x95: {  	_ =	strace s3  }
0x96: {  	_ =	strace $0x8FFFFFFF  }
0x97: {  	s18 =	sld [smem:$0x3FDB];
	_ =	sdelay $0x1  }
0x98: {  	s4 =	simm.s32 $_scs_section_size  }
0x99: {  	s5 =	simm.s32 $_size__tile_overlayer_lowered;
	s6 =	simm.s32 $_tile_overlayer_lowered  }
0x9a: {  	s21 =	simm.s32 $0x1BFF;
	s20 =	sshll.u32 s6, $0x1;
	s3 =	sadd.s32 s4, s18  }
0x9b: {  	s7 =	simm.s32 $0x0;
	s19 =	sshll.u32 s5, $0x1;
	s5 =	sadd.s32 s20, s3  }
0x9c: {  	[timem:s7], [sflag:s21] =	dma.local [hbm:s5], s19  }
0x9d: {  	_ =	swait.ge [sflag:s21], s19  }
0x9e: {  	s4 =	ssub.s32 $0x0, s19;
	[sflag:s21] =	ssyncset.done $0x0  }
0x9f: {  	[sflag:s21] =	ssyncadd.s32 s4;
	_ =	sdelay $0x1  }
0xa0: {  	s22 =	simm.s32 $0x1B8B  }
0xa1: {  	_ =	swait.ge [sflag:s22], $0x1  }
0xa2: {  	[sflag:s22] =	ssyncset.done $0x0  }
0xa3: {  	s23 =	simm.s32 $0x1B8E;
	[sflag:s22] =	ssyncadd.s32 $0xFFFFFFFF  }
0xa4: {  	s24 =	simm.s32 $execute0_lowered;
	[smem:$0x3FD2] =	sst s23  }
0xa5: {  	s4 =	sshll.u32 s24, $0x1;
	_ =	strace $0x80000046;
	[dreg:$0x1] =	wrdreg $0xFFFFFFFF  }
0xa6: {  	s25 =	simm.s32 $_size_execute0_lowered;
	s3 =	sadd.s32 s3, s4;
	[dreg:$0x0] =	wrdreg $0x0  }
0xa7: {  	s4 =	sshll.u32 s25, $0x1;
	[dreg:$0x2] =	wrdreg s3  }
0xa8: {  	[dreg:$0x3] =	wrdreg s4  }
0xa9: {  	[dreg:$0x4] =	wrdreg $0xC0  }
0xaa: {  	_ =	task [dreg:s7], $0x5FFFF  }
0xab: {  	[dreg:$0x1] =	wrdreg $0xFFFFFFFF  }
0xac: {  	[dreg:$0x0] =	wrdreg $0x60  }
0xad: {  	[dreg:$0x2] =	wrdreg s0  }
0xae: {  	[dreg:$0x3] =	wrdreg s17  }
0xaf: {  	[dreg:$0x4] =	wrdreg s2  }
0xb0: {  	[dreg:$0x5] =	wrdreg $0x9  }
0xb1: {  	_ =	task.clear_ibuf [dreg:s7], $0x6FFFF;
	_ =	strace $0x90000046  }
0xb2: {  	s26 =	simm.s32 $0x9;
	_ =	strace $0x80000048  }
0xb3: {  	_ =	swait.ge [sflag:s26], $0x1  }
0xb4: {  	[sflag:s26] =	ssyncadd.s32 $0xFFFFFFFF  }
0xb5: {  	_ =	strace $0x90000048  }
0xb6: {  	_ =	sfence  }
0xb7: {  	s28 =	sld [smem:$0x0];
	_ =	sdelay $0x1  }
0xb8: {  	s29 =	srdreg.scid  }
0xb9: {  	s30 =	sshll.u32 s29, $0xD;
	s31 =	sshrl.u32 s29, $0x2  }
0xba: {  	s1 =	sand.u32 $0x1, s29;
	s2 =	sand.u32 $0x4000, s30;
	s0 =	sadd.s32 s31, s28  }
0xbb: {  	s1 =	sor.u32 s2, s1;
	s0 =	sshll.u32 s0, $0x11  }
0xbc: {  	s0 =	sor.u32 s0, s1  }
0xbd: {  	s0 =	sadd.s32 $0x8F2B, s0  }
0xbe: {  	[sflag:s0] =	ssyncadd.remote.s32 $0x1  }
0xbf: {  	_ =	sfence.sel $0xFFFF  }
0xc0: {  	[dreg:$0x0] =	wrdreg $0xFFFFFFFF;
	(pc) =	sbr.abs _section_cstart, $3  }
0xc1: {  	[dreg:$0x1] =	wrdreg $0xFFFFFFFF  }
0xc2: {  	_ =	task.clear_ibuf [dreg:s7], $0x2FFFF;
	_ =	strace $0x9FFFFFFF  }
0xc3: {  	(tm) =	ssettm $0x7FFFFFFF  }
tec
execute0_lowered:
.L_overlay_start_1:
0x0: {  	(tag) =	ssettag $0x1  }
0x1: {  	s4 =	rddreg [dreg:$0x0]  }
0x2: {  	s1 =	rddreg [dreg:$0x1]  }
0x3: {  	s2 =	rddreg [dreg:$0x2];
	s3 =	simm.s32 $0x0  }
0x4: {  	[smem:$0x7FF] =	sst s3  }
0x5: {  	s0 =	rddreg [dreg:$0x3];
	s5 =	simm.s32 $0x1;
	_ =	strace $0x80000047  }
0x6: {  	[tilespmem:s3], [sflag:$0x1] =	stream.linear.gather [hbm4b:s1+s3], $0x11, $0x38;
	[tilespmem:$0x2100] =	vst v63  }
0x7: {  	_ =	swait.ge [sflag:s5], $0x11  }
0x8: {  	[sflag:s5] =	ssyncset.done $0x0  }
0x9: {  	s1 =	stileid.u32;
	[sflag:s5] =	ssyncadd.s32 $0xFFFFFFEF  }
0xa: {  	v0 =	vld [tilespmem:s1+$0x0];
	_ =	sdelay $0x4  }
0xb: {  	(v2sf) =	vpush v0, $0x0;
	_ =	sdelay $0x6  }
0xc: {  	(v2sf) =	vpush v0, $0x1;
	_ =	sdelay $0x7  }
0xd: {  	s6 =	spop (v2sf)  }
0xe: {  	s7 =	sand.u32 $0xFFFFFFF8, s6  }
0xf: {  	p0 =	slt.s32 s7, $0x77F8  }
0x10: {  	s7 =	simm.s32 @!p0 $0x77F8  }
0x11: {  	s21 =	simm.s32 $0x80;
	s8 =	sshrl.u32 s7, $0x3  }
0x12: {  	s22 =	sshll.u32 s6, $0x2;
	s7 =	sshll.u32 s7, $0x2;
	s4 =	sadd.s32 s4, s8  }
0x13: {  	[tilespmem:s21], [sflag:$0x1] =	stream.linear.gather [hbm4b:s4+s3], $0x808, $0x38;
	[tilespmem:$0x2100] =	vst v63  }
0x14: {  	s23 =	spop (v2sf);
	s4 =	ssub.s32 s22, s7  }
0x15: {  	_ =	swait.ge [sflag:s5], $0x808;
	s4 =	sadd.s32 $0x100, s4  }
0x16: {  	[sflag:s5] =	ssyncset.done $0x0;
	s4 =	sshra.s32 s4, $0x2  }
0x17: {  	[sflag:s5] =	ssyncadd.s32 $0xFFFFF7F8;
	s24 =	sadd.s32 $0x80, s4  }
0x18: {  	v2 =	vld [tilespmem:s24+$0x30]  }
0x19: {  	v4 =	vld [tilespmem:s24+$0xFFFFFFC0]  }
0x1a: {  	v1 =	vlaneseq.u32;
	s26 =	simm.s32 $0x70;
	s25 =	ssub.s32 s23, s6;
	v5 =	vld [tilespmem:s24+$0xFFFFFFD0]  }
0x1b: {  	v3 =	vor.u32 s26, v1;
	v0 =	vmov s25;
	v7 =	vld [tilespmem:s24+$0xFFFFFFE0]  }
0x1c: {  	s28 =	simm.s32 $0x10;
	v8 =	vor.u32 s3, v1;
	vm0 =	vlt.s32 v3, v0;
	v6 =	vld [tilespmem:s24+$0xFFFFFFF0]  }
0x1d: {  	s29 =	simm.s32 $0x20;
	vm1 =	vlt.s32 v8, v0;
	v8 =	vor.u32 s28, v1;
	s4 =	simm.s32 $0x1940;
	v3 =	vld [tilespmem:s24+$0x0];
	v2 =	vnsel vm0, $0x0, v2  }
0x1e: {  	s30 =	simm.s32 $0x30;
	v9 =	vnsel vm1, $0x0, v4;
	vm0 =	vlt.s32 v8, v0;
	v8 =	vor.u32 s29, v1;
	v4 =	vld [tilespmem:s24+$0x10];
	[tilespmem:s4+$0x30] =	vst v2  }
0x1f: {  	s31 =	simm.s32 $0x40;
	s6 =	sadd.s32 $0x80, s24;
	[tilespmem:s4+$0xFFFFFFC0] =	vst v9;
	v9 =	vnsel vm0, $0x0, v5;
	vm0 =	vlt.s32 v8, v0;
	v8 =	vor.u32 s30, v1;
	v5 =	vld [tilespmem:s24+$0x20]  }
0x20: {  	s8 =	simm.s32 $0x50;
	s7 =	simm.s32 $0x100;
	s5 =	simm.s32 $0x80;
	v2 =	vld [tilespmem:s6+$0x30];
	[tilespmem:s4+$0xFFFFFFD0] =	vst v9;
	v7 =	vnsel vm0, $0x0, v7;
	vm0 =	vlt.s32 v8, v0;
	v8 =	vor.u32 s31, v1  }
.LBB2_1:
0x21: {  	p0 =	slt.u32 s7, $0x780;
	v9 =	vld [tilespmem:s6+$0xFFFFFFC0];
	[tilespmem:s4+$0xFFFFFFE0] =	vst v7;
	v6 =	vnsel vm0, $0x0, v6;
	vm0 =	vlt.s32 v8, v0;
	v7 =	vor.u32 s8, v1;
	s8 =	sadd.s32 $0x60, s3;
	s3 =	smov.u32 s5  }
0x22: {  	s5 =	smov.u32 s7;
	v8 =	vld [tilespmem:s6+$0xFFFFFFD0];
	s9 =	sadd.s32 $0x70, s3;
	[tilespmem:s4+$0xFFFFFFF0] =	vst v6;
	v3 =	vnsel vm0, $0x0, v3;
	vm0 =	vlt.s32 v7, v0;
	v6 =	vor.u32 s8, v1  }
0x23: {  	v7 =	vld [tilespmem:s6+$0xFFFFFFE0];
	v10 =	vor.u32 s9, v1;
	[tilespmem:s4+$0x0] =	vst v3;
	v3 =	vnsel vm0, $0x0, v4;
	vm0 =	vlt.s32 v6, v0  }
.Ltmp0:
0x24: {  	s8 =	sadd.s32 $0x10, s3;
	v4 =	vor.u32 s3, v1;
	v6 =	vld [tilespmem:s6+$0xFFFFFFF0];
	vm1 =	vlt.s32 v10, v0;
	[tilespmem:s4+$0x10] =	vst v3;
	v5 =	vnsel vm0, $0x0, v5;
	(pc) =	sbr.rel @p0 .LBB2_1-.Ltmp0, $4  }
0x25: {  	vm0 =	vlt.s32 v4, v0;
	v4 =	vor.u32 s8, v1;
	s8 =	sadd.s32 $0x20, s3;
	v3 =	vld [tilespmem:s6+$0x0];
	v2 =	vnsel vm1, $0x0, v2;
	[tilespmem:s4+$0x20] =	vst v5;
	s4 =	sadd.s32 $0x80, s4  }
0x26: {  	v5 =	vnsel vm0, $0x0, v9;
	vm0 =	vlt.s32 v4, v0;
	v9 =	vor.u32 s8, v1;
	s8 =	sadd.s32 $0x30, s3;
	v4 =	vld [tilespmem:s6+$0x10];
	[tilespmem:s4+$0x30] =	vst v2  }
0x27: {  	[tilespmem:s4+$0xFFFFFFC0] =	vst v5;
	v8 =	vnsel vm0, $0x0, v8;
	vm0 =	vlt.s32 v9, v0;
	v9 =	vor.u32 s8, v1;
	s8 =	sadd.s32 $0x40, s3;
	v5 =	vld [tilespmem:s6+$0x20];
	s6 =	sadd.s32 $0x80, s6  }
0x28: {  	s7 =	sadd.s32 $0x80, s7;
	v2 =	vld [tilespmem:s6+$0x30];
	[tilespmem:s4+$0xFFFFFFD0] =	vst v8;
	v7 =	vnsel vm0, $0x0, v7;
	vm0 =	vlt.s32 v9, v0;
	v8 =	vor.u32 s8, v1;
	s8 =	sadd.s32 $0x50, s3  }
0x29: {  	v9 =	vld [tilespmem:s6+$0xFFFFFFC0];
	[tilespmem:s4+$0xFFFFFFE0] =	vst v7;
	v6 =	vnsel vm0, $0x0, v6;
	vm6 =	vlt.s32 v8, v0;
	v41 =	vor.u32 s8, v1;
	s3 =	sadd.s32 $0x60, s3  }
0x2a: {  	v42 =	vld [tilespmem:s6+$0xFFFFFFD0];
	s7 =	sadd.s32 $0x70, s5;
	[tilespmem:s4+$0xFFFFFFF0] =	vst v6;
	v3 =	vnsel vm6, $0x0, v3;
	vm7 =	vlt.s32 v41, v0;
	v43 =	vor.u32 s3, v1  }
0x2b: {  	v44 =	vld [tilespmem:s6+$0xFFFFFFE0];
	v10 =	vor.u32 s7, v1;
	[tilespmem:s4+$0x0] =	vst v3;
	v45 =	vnsel vm7, $0x0, v4;
	vm8 =	vlt.s32 v43, v0  }
0x2c: {  	v46 =	vor.u32 s5, v1;
	s18 =	sadd.s32 $0x10, s5;
	v47 =	vld [tilespmem:s6+$0xFFFFFFF0];
	vm1 =	vlt.s32 v10, v0;
	[tilespmem:s4+$0x10] =	vst v45;
	v48 =	vnsel vm8, $0x0, v5  }
0x2d: {  	s19 =	sadd.s32 $0x20, s5;
	v50 =	vld [tilespmem:s6+$0x0];
	s20 =	sadd.s32 $0x80, s4;
	vm9 =	vlt.s32 v46, v0;
	v49 =	vor.u32 s18, v1;
	v2 =	vnsel vm1, $0x0, v2;
	[tilespmem:s4+$0x20] =	vst v48  }
0x2e: {  	s21 =	sadd.s32 $0x30, s5;
	v53 =	vld [tilespmem:s6+$0x10];
	v52 =	vor.u32 s19, v1;
	vm10 =	vlt.s32 v49, v0;
	v51 =	vnsel vm9, $0x0, v9;
	[tilespmem:s20+$0x30] =	vst v2  }
0x2f: {  	s22 =	sadd.s32 $0x40, s5;
	v56 =	vld [tilespmem:s6+$0x20];
	v55 =	vor.u32 s21, v1;
	vm11 =	vlt.s32 v52, v0;
	v54 =	vnsel vm10, $0x0, v42;
	[tilespmem:s20+$0xFFFFFFC0] =	vst v51  }
0x30: {  	s23 =	sadd.s32 $0x50, s5;
	v58 =	vor.u32 s22, v1;
	vm12 =	vlt.s32 v55, v0;
	v57 =	vnsel vm11, $0x0, v44;
	[tilespmem:s20+$0xFFFFFFD0] =	vst v54  }
0x31: {  	s24 =	sadd.s32 $0x60, s5;
	v60 =	vor.u32 s23, v1;
	vm13 =	vlt.s32 v58, v0;
	v59 =	vnsel vm12, $0x0, v47;
	[tilespmem:s20+$0xFFFFFFE0] =	vst v57  }
0x32: {  	s25 =	sshll.u32 s1, $0x4;
	v62 =	vor.u32 s24, v1;
	vm14 =	vlt.s32 v60, v0;
	v61 =	vnsel vm13, $0x0, v50;
	[tilespmem:s20+$0xFFFFFFF0] =	vst v59  }
0x33: {  	s26 =	sshll.u32 s1, $0x8;
	s28 =	simm.s32 $0x80;
	s5 =	sand.u32 $0x70, s25;
	vm15 =	vlt.s32 v62, v0;
	v63 =	vnsel vm14, $0x0, v53;
	[tilespmem:s20+$0x0] =	vst v61  }
0x34: {  	s29 =	simm.s32 $0x400;
	s3 =	sand.u32 $0x800, s26;
	s2 =	sadd.s32 s2, s5;
	v0 =	vnsel vm15, $0x0, v56;
	[tilespmem:s20+$0x10] =	vst v63  }
0x35: {  	s30 =	simm.s32 $0x1900;
	s31 =	simm.s32 $0x1;
	s2 =	sadd.s32 s3, s2;
	[tilespmem:s20+$0x20] =	vst v0  }
0x36: {  	[hbm4b:s2+s28] =	stream.strided.scatter [tilespmem:s30], [sflag:$0x1], $0x800, s29, s28, $0x38;
	[tilespmem:$0x2100] =	vst v63  }
0x37: {  	_ =	swait.ge [sflag:s31], $0x800  }
0x38: {  	[sflag:s31] =	ssyncset.done $0x0  }
0x39: {  	[sflag:s31] =	ssyncadd.s32 $0xFFFFF800  }
0x3a: {  	_ =	sfence.sel $0x180000  }
0x3b: {  	[bflag:$0x0] =	sbarrier.arrive $0xFFFF  }
0x3c: {  	p0 =	sne.s32 s1, $0x0;
	_ =	strace $0x90000047  }
0x3d: {  	s0 =	sadd.s32 @!p0 $0x100000, s0;
	[bflag:$0x2] =	sbarrier.arrive $0xFFFF  }
0x3e: {  	[sflag:s0] =	ssyncadd.tile.s32 @!p0 $0x1;
	_ =	shalt  }
.Lfunc_end2:
_tile_overlayer_lowered:
.L_overlay_start_2:
0x3f: {  	(tag) =	ssettag $0x2  }
0x40: {  	s0 =	rddreg [dreg:$0x0];
	s2 =	stileid.u32  }
0x41: {  	s1 =	rddreg [dreg:$0x1];
	p0 =	sne.s32 s2, $0x0  }
0x42: {  	s3 =	rddreg [dreg:$0x2];
	[bflag:$0x3] =	sbarrier.arrive $0xFFFF;
	s2 =	simm.s32 @!p0 $0x1C01  }
0x43: {  	[timem:s3], [sflag:s2] =	dma.local @!p0 [hbm:s0], s1  }
0x44: {  	s0 =	simm.s32 @!p0 $0x1  }
0x45: {  	_ =	swait.ge @!p0 [sflag:s0], s1  }
0x46: {  	s1 =	ssub.s32 @!p0 $0x0, s1;
	[sflag:s0] =	ssyncset.done @!p0 $0x0  }
0x47: {  	[sflag:s0] =	ssyncadd.s32 @!p0 s1  }
0x48: {  	[bflag:$0x3] =	sbarrier.arrive $0xFFFF  }
0x49: {  	_ =	shalt  }

</sc_bundles>
